<compile_context>
chip_gen: v7x
topology: tpu7x:2x2x1
jax: 0.10.2.dev20260603
libtpu: 0.0.44.dev20260713+nightly
codegen_flags: <defaults>
</compile_context>

<pallas_src>
import functools

import jax
import jax.numpy as jnp
from jax import lax
from jax.experimental import pallas as pl
from jax.experimental.pallas import tpu as pltpu
from jax.experimental.pallas import tpu_sc as plsc

_N_EMBD = 1024
_TABLE = 131072
_HEADS = 8
_HEAD_DIM = 128
_B, _T = 2, 4096
_BT = _B * _T
_NWORKERS = 32
_TOK_PER_W = _BT // _NWORKERS
_ROWS_PER_W = _TOK_PER_W * _HEADS
_CHUNK = 128
_NCHUNK = _ROWS_PER_W // _CHUNK
_PAD = 8
_HMASK = _TABLE - 1


def _sc_hash_gather(memory, idx_pad, seeds_rep):
    mesh = plsc.VectorSubcoreMesh(core_axis_name="c", subcore_axis_name="s")

    @functools.partial(
        pl.kernel,
        out_type=jax.ShapeDtypeStruct((_BT * _HEADS, _HEAD_DIM), jnp.float32),
        mesh=mesh,
        compiler_params=pltpu.CompilerParams(needs_layout_passes=False),
        scratch_types=[
            pltpu.VMEM((_TOK_PER_W + 2 * _PAD,), jnp.int32),
            pltpu.VMEM((3, 16), jnp.int32),
            pltpu.VMEM((_ROWS_PER_W,), jnp.int32),
            pltpu.VMEM((_CHUNK, _HEAD_DIM), jnp.float32),
            pltpu.VMEM((_CHUNK, _HEAD_DIM), jnp.float32),
            pltpu.SemaphoreType.DMA,
            pltpu.SemaphoreType.DMA,
            pltpu.SemaphoreType.DMA,
            pltpu.SemaphoreType.DMA,
        ],
    )
    def run(mem_hbm, idx_hbm, seeds_hbm, out_hbm,
            win_v, seeds_v, hidx_v, rows_a, rows_b,
            sem_ga, sem_gb, sem_sa, sem_sb):
        i32 = jnp.int32
        wid = lax.axis_index("s") * i32(2) + lax.axis_index("c")
        tflat0 = wid * i32(_TOK_PER_W)
        b = tflat0 // i32(_T)
        t0 = tflat0 % i32(_T)

        woff = b * i32(_T + 2 * _PAD) + t0
        pltpu.sync_copy(idx_hbm.at[pl.ds(woff, _TOK_PER_W + 2 * _PAD)], win_v)
        pltpu.sync_copy(seeds_hbm, seeds_v)

        lane = lax.iota(jnp.int32, 16)
        tl = lane >> i32(3)
        hoff = (lane & i32(7)) * i32(_TABLE)
        s0 = seeds_v[0]
        s1 = seeds_v[1]
        s2 = seeds_v[2]

        def hash_body(gi, carry):
            base = gi * i32(2) + i32(_PAD - 2)
            i0 = plsc.load_gather(win_v, [tl + base])
            i1 = plsc.load_gather(win_v, [tl + (base + i32(1))])
            i2 = plsc.load_gather(win_v, [tl + (base + i32(2))])
            h = ((i0 * s0 + i1 * s1 + i2 * s2) & i32(_HMASK)) + hoff
            hidx_v[pl.ds(gi * i32(16), 16)] = h
            return carry

        lax.fori_loop(jnp.int32(0), jnp.int32(_TOK_PER_W // 2), hash_body,
                      jnp.int32(0))

        row0 = wid * i32(_ROWS_PER_W)

        def fire(c, buf, sem):
            return pltpu.async_copy(
                mem_hbm.at[hidx_v.at[pl.ds(c * i32(_CHUNK), _CHUNK)]], buf, sem)

        def wait_gather(c, buf, sem):
            pltpu.make_async_copy(
                mem_hbm.at[hidx_v.at[pl.ds(c * i32(_CHUNK), _CHUNK)]],
                buf, sem).wait()

        def fire_store(c, buf, sem):
            pltpu.async_copy(
                buf, out_hbm.at[pl.ds(row0 + c * i32(_CHUNK), _CHUNK)], sem)

        def wait_store(c, buf, sem):
            pltpu.make_async_copy(
                buf, out_hbm.at[pl.ds(row0 + c * i32(_CHUNK), _CHUNK)],
                sem).wait()

        fire(jnp.int32(0), rows_a, sem_ga)

        def gth_body(c, carry):
            even = lax.rem(c, i32(2)) == i32(0)

            @pl.when(even)
            def _():
                wait_gather(c, rows_a, sem_ga)
                fire_store(c, rows_a, sem_sa)
                @pl.when(c + i32(1) < i32(_NCHUNK))
                def _():
                    @pl.when(c >= i32(1))
                    def _():
                        wait_store(c - i32(1), rows_b, sem_sb)
                    fire(c + i32(1), rows_b, sem_gb)

            @pl.when(jnp.logical_not(even))
            def _():
                wait_gather(c, rows_b, sem_gb)
                fire_store(c, rows_b, sem_sb)
                @pl.when(c + i32(1) < i32(_NCHUNK))
                def _():
                    wait_store(c - i32(1), rows_a, sem_sa)
                    fire(c + i32(1), rows_a, sem_ga)
            return carry

        lax.fori_loop(jnp.int32(0), jnp.int32(_NCHUNK), gth_body, jnp.int32(0))
        wait_store(jnp.int32(_NCHUNK - 2), rows_a, sem_sa)
        wait_store(jnp.int32(_NCHUNK - 1), rows_b, sem_sb)

    return run(memory, idx_pad, seeds_rep)


_M_BLK = 1024


def _z(i):
    return i - i


def _fusion_body(x_ref, r_ref, w1_ref, w2_ref, b_ref, o_ref):
    xb = x_ref[...]
    rb = r_ref[...]
    dn = (((1,), (1,)), ((), ()))
    logits = lax.dot_general(xb.astype(jnp.bfloat16), w1_ref[...], dn,
                             preferred_element_type=jnp.float32)
    logits += lax.dot_general(rb.astype(jnp.bfloat16), w2_ref[...], dn,
                              preferred_element_type=jnp.float32)
    logits += b_ref[...]
    g = jax.nn.sigmoid(logits)
    o_ref[...] = xb + g * rb


def _tc_fusion(x2d, r2d, w1, w2, b2d):
    return pl.pallas_call(
        _fusion_body,
        grid=(_BT // _M_BLK,),
        in_specs=[
            pl.BlockSpec((_M_BLK, _N_EMBD), lambda i: (i, _z(i))),
            pl.BlockSpec((_M_BLK, _N_EMBD), lambda i: (i, _z(i))),
            pl.BlockSpec((_N_EMBD, _N_EMBD), lambda i: (_z(i), _z(i))),
            pl.BlockSpec((_N_EMBD, _N_EMBD), lambda i: (_z(i), _z(i))),
            pl.BlockSpec((1, _N_EMBD), lambda i: (_z(i), _z(i))),
        ],
        out_specs=pl.BlockSpec((_M_BLK, _N_EMBD), lambda i: (i, _z(i))),
        out_shape=jax.ShapeDtypeStruct((_BT, _N_EMBD), jnp.float32),
    )(x2d, r2d, w1, w2, b2d)


def kernel(x, idx, memory, hash_seeds, gate_w, gate_b):
    idx32 = idx.astype(jnp.int32)
    idx_pad = jnp.pad(idx32, ((0, 0), (_PAD, _PAD))).reshape(-1)
    seeds_rep = jnp.tile(hash_seeds.astype(jnp.int32).T, (1, 2))

    retrieved = _sc_hash_gather(memory, idx_pad, seeds_rep)
    r2d = retrieved.reshape(_BT, _N_EMBD)
    x2d = x.reshape(_BT, _N_EMBD)
    w1 = gate_w[:, :_N_EMBD].astype(jnp.bfloat16)
    w2 = gate_w[:, _N_EMBD:].astype(jnp.bfloat16)
    b2d = gate_b.reshape(1, _N_EMBD).astype(jnp.float32)

    out = _tc_fusion(x2d, r2d, w1, w2, b2d)
    return out.reshape(x.shape).astype(jnp.float64)

# --- scband reference (transcript-rebuilt; emitter-appended) ---
"""Pipeline reference for scband-engram-module-10599979286610 (READ-ONLY COPY).

The authoritative reference and input builder live on the scoring server;
editing this copy changes nothing except your own understanding.
"""

import jax
jax.config.update('jax_enable_x64', True)
import jax.numpy as jnp
import numpy as np

N_EMBD = 1024
TABLE_SIZE = 131072
NUM_HEADS = 8
N_GRAM = 3
HEAD_DIM = N_EMBD // NUM_HEADS
B, T = 2, 4096


def setup_inputs(seed: int = 0) -> dict:
    key = jax.random.key(seed)
    k_x, k_idx, k_mem, k_seed, k_gw, k_gb = jax.random.split(key, 6)
    x = jax.random.normal(k_x, (B, T, N_EMBD), dtype=jnp.float32)
    idx = jax.random.randint(k_idx, (B, T), 0, 50000, dtype=jnp.int64)
    memory = jax.random.normal(k_mem, (NUM_HEADS * TABLE_SIZE, HEAD_DIM), dtype=jnp.float32) * 0.02
    hash_seeds = jax.random.randint(k_seed, (NUM_HEADS, N_GRAM), 1, 2 ** 31, dtype=jnp.int64)
    gate_w = jax.random.normal(k_gw, (N_EMBD, 2 * N_EMBD), dtype=jnp.float32) * (1.0 / np.sqrt(2 * N_EMBD))
    gate_b = jnp.zeros((N_EMBD,), dtype=jnp.float32)
    return {'x': x, 'idx': idx, 'memory': memory, 'hash_seeds': hash_seeds, 'gate_w': gate_w, 'gate_b': gate_b}


def reference(x, idx, memory, hash_seeds, gate_w, gate_b):
    Bv, Tv = idx.shape
    padded_idx = jnp.pad(idx, ((0, 0), (N_GRAM - 1, 0)), constant_values=0)
    # unfold(1, n_gram, 1): ngrams[b, t, k] = padded[b, t + k]
    ngrams = jnp.stack([padded_idx[:, k:k + Tv] for k in range(N_GRAM)], axis=-1)  # [B, T, n_gram]
    ngrams_exp = ngrams[:, None, :, :]  # [B, 1, T, n_gram]
    seeds_exp = hash_seeds.reshape(1, NUM_HEADS, 1, N_GRAM)
    hash_idx = jnp.abs((ngrams_exp * seeds_exp).sum(axis=-1)) % TABLE_SIZE  # [B, H, T]
    offset = (jnp.arange(NUM_HEADS, dtype=jnp.int64) * TABLE_SIZE).reshape(1, NUM_HEADS, 1)
    flat_hash_idx = hash_idx + offset  # [B, H, T]
    retrieved = jnp.take(memory, flat_hash_idx, axis=0)  # [B, H, T, head_dim]
    retrieved = jnp.transpose(retrieved, (0, 2, 1, 3)).reshape(Bv, Tv, NUM_HEADS * HEAD_DIM)
    fusion_input = jnp.concatenate([x, retrieved], axis=-1)  # [B, T, 2*n_embd]
    g = jax.nn.sigmoid(fusion_input @ gate_w.T + gate_b)
    return x + g * retrieved

if __name__ == "__main__":
    import jax
    _d = setup_inputs()
    print(jax.jit(kernel)(*tuple(_d.values())))

</pallas_src>

<mosaic_0001>
#map = affine_map<(d0, d1) -> (0, 0)>
#map1 = affine_map<(d0, d1) -> (0)>
module attributes {stable_mosaic.version = 14 : i64} {
  func.func @run(%arg0: i32, %arg1: i32, %arg2: memref<1048576x128xf32, #tpu.memory_space<hbm>>, %arg3: memref<8224xi32, #tpu.memory_space<hbm>>, %arg4: memref<3x16xi32, #tpu.memory_space<hbm>>, %arg5: memref<65536x128xf32, #tpu.memory_space<hbm>>, %arg6: memref<272xi32, #tpu.memory_space<vmem>>, %arg7: memref<3x16xi32, #tpu.memory_space<vmem>>, %arg8: memref<2048xi32, #tpu.memory_space<vmem>>, %arg9: memref<128x128xf32, #tpu.memory_space<vmem>>, %arg10: memref<128x128xf32, #tpu.memory_space<vmem>>, %arg11: memref<!tpu.dma_semaphore, #tpu.memory_space<semaphore_mem>>, %arg12: memref<!tpu.dma_semaphore, #tpu.memory_space<semaphore_mem>>, %arg13: memref<!tpu.dma_semaphore, #tpu.memory_space<semaphore_mem>>, %arg14: memref<!tpu.dma_semaphore, #tpu.memory_space<semaphore_mem>>) attributes {dimension_semantics = [#tpu.dimension_semantics<core_parallel>, #tpu.dimension_semantics<subcore_parallel>], iteration_bounds = array<i64: 2, 16>, scalar_prefetch = 0 : i64, scratch_operands = 9 : i64, tpu.core_type = #tpu.core_type<sc_vector_subcore>, window_params = [{transform_indices = #map}, {transform_indices = #map1}, {transform_indices = #map}, {transform_indices = #map}]} {
    %mul3A = arith.constant 2 : i32
    %mul3A_0 = arith.muli %arg1, %mul3A : i32
    %add3A = arith.addi %mul3A_0, %arg0 : i32
    %mul3A_1 = arith.constant 256 : i32
    %mul3A_2 = arith.muli %add3A, %mul3A_1 : i32
    %jit3A = arith.constant 4096 : i32
    %div3A = arith.divsi %mul3A_2, %jit3A : i32
    %sign3A = arith.constant 0 : i32
    %sign3A_3 = arith.cmpi sgt, %mul3A_2, %sign3A : i32
    %sign3A_4 = arith.extui %sign3A_3 : i1 to i32
    %sign3A_5 = arith.constant 0 : i32
    %sign3A_6 = arith.cmpi slt, %mul3A_2, %sign3A_5 : i32
    %sign3A_7 = arith.extui %sign3A_6 : i1 to i32
    %sign3A_8 = arith.subi %sign3A_4, %sign3A_7 : i32
    %sign3A_9 = arith.constant 0 : i32
    %sign3A_10 = arith.cmpi sgt, %jit3A, %sign3A_9 : i32
    %sign3A_11 = arith.extui %sign3A_10 : i1 to i32
    %sign3A_12 = arith.constant 0 : i32
    %sign3A_13 = arith.cmpi slt, %jit3A, %sign3A_12 : i32
    %sign3A_14 = arith.extui %sign3A_13 : i1 to i32
    %sign3A_15 = arith.subi %sign3A_11, %sign3A_14 : i32
    %ne3A = arith.cmpi ne, %sign3A_8, %sign3A_15 : i32
    %rem3A = arith.remsi %mul3A_2, %jit3A : i32
    %ne3A_16 = arith.constant 0 : i32
    %ne3A_17 = arith.cmpi ne, %rem3A, %ne3A_16 : i32
    %and3A = arith.andi %ne3A, %ne3A_17 : i1
    %sub3A = arith.constant 1 : i32
    %sub3A_18 = arith.subi %div3A, %sub3A : i32
    %select_n3A = arith.select %and3A, %sub3A_18, %div3A : i32
    %jit3A_19 = arith.constant 4096 : i32
    %eq3A = arith.constant 0 : i32
    %eq3A_20 = arith.cmpi eq, %jit3A_19, %eq3A : i32
    %jit3A_21 = arith.constant 1 : i32
    %select_n3A_22 = arith.select %eq3A_20, %jit3A_21, %jit3A_19 : i32
    %rem3A_23 = arith.remsi %mul3A_2, %select_n3A_22 : i32
    %ne3A_24 = arith.constant 0 : i32
    %ne3A_25 = arith.cmpi ne, %rem3A_23, %ne3A_24 : i32
    %lt3A = arith.constant 0 : i32
    %lt3A_26 = arith.cmpi slt, %rem3A_23, %lt3A : i32
    %lt3A_27 = arith.constant 0 : i32
    %lt3A_28 = arith.cmpi slt, %select_n3A_22, %lt3A_27 : i32
    %ne3A_29 = arith.xori %lt3A_26, %lt3A_28 : i1
    %and3A_30 = arith.andi %ne3A_29, %ne3A_25 : i1
    %add3A_31 = arith.addi %rem3A_23, %select_n3A_22 : i32
    %select_n3A_32 = arith.select %and3A_30, %add3A_31, %rem3A_23 : i32
    %mul3A_33 = arith.constant 4112 : i32
    %mul3A_34 = arith.muli %select_n3A, %mul3A_33 : i32
    %add3A_35 = arith.addi %mul3A_34, %select_n3A_32 : i32
    "tpu.region"() ({
      %run_scoped3A = tpu.sem_alloc : memref<!tpu.dma_semaphore, #tpu.memory_space<semaphore_mem>>
      %dma_start3A_99 = tpu.memref_slice %arg3[%add3A_35] : memref<8224xi32, #tpu.memory_space<hbm>> -> memref<272xi32, #tpu.memory_space<hbm>>
      %dma_start3A_100 = tpu.memref_slice %arg3[%add3A_35] : memref<8224xi32, #tpu.memory_space<hbm>> -> memref<272xi32, #tpu.memory_space<hbm>>
      tpu.enqueue_dma source(%dma_start3A_100 : memref<272xi32, #tpu.memory_space<hbm>>) target(%arg6 : memref<272xi32, #tpu.memory_space<vmem>>) target_semaphore(%run_scoped3A : memref<!tpu.dma_semaphore, #tpu.memory_space<semaphore_mem>>)
      %dma_wait3A_101 = tpu.memref_slice %arg3[%add3A_35] : memref<8224xi32, #tpu.memory_space<hbm>> -> memref<272xi32, #tpu.memory_space<hbm>>
      %dma_wait3A_102 = tpu.memref_slice %arg3[%add3A_35] : memref<8224xi32, #tpu.memory_space<hbm>> -> memref<272xi32, #tpu.memory_space<hbm>>
      tpu.wait_dma2 semaphore(%run_scoped3A : memref<!tpu.dma_semaphore, #tpu.memory_space<semaphore_mem>>) src(%dma_wait3A_102 : memref<272xi32, #tpu.memory_space<hbm>>) dst(%arg6 : memref<272xi32, #tpu.memory_space<vmem>>)
      tpu.yield
    }) : () -> ()
    "tpu.region"() ({
      %run_scoped3A = tpu.sem_alloc : memref<!tpu.dma_semaphore, #tpu.memory_space<semaphore_mem>>
      tpu.enqueue_dma source(%arg4 : memref<3x16xi32, #tpu.memory_space<hbm>>) target(%arg7 : memref<3x16xi32, #tpu.memory_space<vmem>>) target_semaphore(%run_scoped3A : memref<!tpu.dma_semaphore, #tpu.memory_space<semaphore_mem>>)
      tpu.wait_dma2 semaphore(%run_scoped3A : memref<!tpu.dma_semaphore, #tpu.memory_space<semaphore_mem>>) src(%arg4 : memref<3x16xi32, #tpu.memory_space<hbm>>) dst(%arg7 : memref<3x16xi32, #tpu.memory_space<vmem>>)
      tpu.yield
    }) : () -> ()
    %iota3A = tpu.iota {dimensions = array<i32: 0>} : vector<16xi32>
    %shift_right_arithmetic3A = arith.constant 3 : i32
    %shift_right_arithmetic3A_36 = vector.broadcast %shift_right_arithmetic3A : i32 to vector<16xi32>
    %shift_right_arithmetic3A_37 = arith.shrsi %iota3A, %shift_right_arithmetic3A_36 : vector<16xi32>
    %and3A_38 = arith.constant 7 : i32
    %and3A_39 = vector.broadcast %and3A_38 : i32 to vector<16xi32>
    %and3A_40 = arith.andi %iota3A, %and3A_39 : vector<16xi32>
    %mul3A_41 = arith.constant 131072 : i32
    %mul3A_42 = vector.broadcast %mul3A_41 : i32 to vector<16xi32>
    %mul3A_43 = arith.muli %and3A_40, %mul3A_42 : vector<16xi32>
    %get3A = arith.constant 0 : i64
    %get3A_44 = arith.index_cast %get3A : i64 to index
    %get3A_45 = arith.constant 0 : index
    %get3A_46 = tpu.vector_load %arg7[%get3A_44, %get3A_45] {strides = array<i32>} : memref<3x16xi32, #tpu.memory_space<vmem>>, vector<16xi32>,
    %get3A_47 = arith.constant 1 : i64
    %get3A_48 = arith.index_cast %get3A_47 : i64 to index
    %get3A_49 = arith.constant 0 : index
    %get3A_50 = tpu.vector_load %arg7[%get3A_48, %get3A_49] {strides = array<i32>} : memref<3x16xi32, #tpu.memory_space<vmem>>, vector<16xi32>,
    %get3A_51 = arith.constant 2 : i64
    %get3A_52 = arith.index_cast %get3A_51 : i64 to index
    %get3A_53 = arith.constant 0 : index
    %get3A_54 = tpu.vector_load %arg7[%get3A_52, %get3A_53] {strides = array<i32>} : memref<3x16xi32, #tpu.memory_space<vmem>>, vector<16xi32>,
    %while3A = arith.constant 0 : i32
    %while3A_55 = arith.constant 0 : i32
    %while3A_56 = arith.constant 128 : i32
    %while3A_57 = arith.subi %while3A_56, %while3A_55 : i32
    %while3A_58 = arith.addi %while3A_55, %while3A_57 : i32
    %while3A_59 = arith.constant 1 : i32
    %while3A_60 = arith.divsi %while3A_57, %while3A_59 : i32
    %while3A_61 = arith.muli %while3A_60, %while3A_59 : i32
    %while3A_62 = arith.addi %while3A_55, %while3A_61 : i32
    %while3A_63 = arith.constant 1 : i32
    scf.for %while3A_99 = %while3A_55 to %while3A_62 step %while3A_63  : i32 {
      %mul3A_100 = arith.constant 2 : i32
      %mul3A_101 = arith.muli %while3A_99, %mul3A_100 : i32
      %add3A_102 = arith.constant 6 : i32
      %add3A_103 = arith.addi %mul3A_101, %add3A_102 : i32
      %add3A_104 = vector.broadcast %add3A_103 : i32 to vector<16xi32>
      %add3A_105 = arith.addi %shift_right_arithmetic3A_37, %add3A_104 : vector<16xi32>
      %gather3A = tpu.vector_load_idx %arg6[%add3A_105] : memref<272xi32, #tpu.memory_space<vmem>>[vector<16xi32>], vector<16xi32>,
      %add3A_106 = arith.constant 1 : i32
      %add3A_107 = arith.addi %add3A_103, %add3A_106 : i32
      %add3A_108 = vector.broadcast %add3A_107 : i32 to vector<16xi32>
      %add3A_109 = arith.addi %shift_right_arithmetic3A_37, %add3A_108 : vector<16xi32>
      %gather3A_110 = tpu.vector_load_idx %arg6[%add3A_109] : memref<272xi32, #tpu.memory_space<vmem>>[vector<16xi32>], vector<16xi32>,
      %add3A_111 = arith.constant 2 : i32
      %add3A_112 = arith.addi %add3A_103, %add3A_111 : i32
      %add3A_113 = vector.broadcast %add3A_112 : i32 to vector<16xi32>
      %add3A_114 = arith.addi %shift_right_arithmetic3A_37, %add3A_113 : vector<16xi32>
      %gather3A_115 = tpu.vector_load_idx %arg6[%add3A_114] : memref<272xi32, #tpu.memory_space<vmem>>[vector<16xi32>], vector<16xi32>,
      %mul3A_116 = arith.muli %gather3A, %get3A_46 : vector<16xi32>
      %mul3A_117 = arith.muli %gather3A_110, %get3A_50 : vector<16xi32>
      %add3A_118 = arith.addi %mul3A_116, %mul3A_117 : vector<16xi32>
      %mul3A_119 = arith.muli %gather3A_115, %get3A_54 : vector<16xi32>
      %add3A_120 = arith.addi %add3A_118, %mul3A_119 : vector<16xi32>
      %and3A_121 = arith.constant 131071 : i32
      %and3A_122 = vector.broadcast %and3A_121 : i32 to vector<16xi32>
      %and3A_123 = arith.andi %add3A_120, %and3A_122 : vector<16xi32>
      %add3A_124 = arith.addi %and3A_123, %mul3A_43 : vector<16xi32>
      %mul3A_125 = arith.constant 16 : i32
      %mul3A_126 = arith.muli %while3A_99, %mul3A_125 : i32
      %swap3A = arith.index_cast %mul3A_126 : i32 to index
      %swap3A_127 = tpu.vector_load %arg8[%swap3A] {strides = array<i32>} : memref<2048xi32, #tpu.memory_space<vmem>>, vector<16xi32>,
      tpu.vector_store %arg8[%swap3A], %add3A_124 {strides = array<i32>} : memref<2048xi32, #tpu.memory_space<vmem>>, vector<16xi32>,
    }
    %while3A_64 = arith.constant 1 : i32
    scf.for %while3A_99 = %while3A_62 to %while3A_58 step %while3A_64  : i32 {
      %mul3A_100 = arith.constant 2 : i32
      %mul3A_101 = arith.muli %while3A_99, %mul3A_100 : i32
      %add3A_102 = arith.constant 6 : i32
      %add3A_103 = arith.addi %mul3A_101, %add3A_102 : i32
      %add3A_104 = vector.broadcast %add3A_103 : i32 to vector<16xi32>
      %add3A_105 = arith.addi %shift_right_arithmetic3A_37, %add3A_104 : vector<16xi32>
      %gather3A = tpu.vector_load_idx %arg6[%add3A_105] : memref<272xi32, #tpu.memory_space<vmem>>[vector<16xi32>], vector<16xi32>,
      %add3A_106 = arith.constant 1 : i32
      %add3A_107 = arith.addi %add3A_103, %add3A_106 : i32
      %add3A_108 = vector.broadcast %add3A_107 : i32 to vector<16xi32>
      %add3A_109 = arith.addi %shift_right_arithmetic3A_37, %add3A_108 : vector<16xi32>
      %gather3A_110 = tpu.vector_load_idx %arg6[%add3A_109] : memref<272xi32, #tpu.memory_space<vmem>>[vector<16xi32>], vector<16xi32>,
      %add3A_111 = arith.constant 2 : i32
      %add3A_112 = arith.addi %add3A_103, %add3A_111 : i32
      %add3A_113 = vector.broadcast %add3A_112 : i32 to vector<16xi32>
      %add3A_114 = arith.addi %shift_right_arithmetic3A_37, %add3A_113 : vector<16xi32>
      %gather3A_115 = tpu.vector_load_idx %arg6[%add3A_114] : memref<272xi32, #tpu.memory_space<vmem>>[vector<16xi32>], vector<16xi32>,
      %mul3A_116 = arith.muli %gather3A, %get3A_46 : vector<16xi32>
      %mul3A_117 = arith.muli %gather3A_110, %get3A_50 : vector<16xi32>
      %add3A_118 = arith.addi %mul3A_116, %mul3A_117 : vector<16xi32>
      %mul3A_119 = arith.muli %gather3A_115, %get3A_54 : vector<16xi32>
      %add3A_120 = arith.addi %add3A_118, %mul3A_119 : vector<16xi32>
      %and3A_121 = arith.constant 131071 : i32
      %and3A_122 = vector.broadcast %and3A_121 : i32 to vector<16xi32>
      %and3A_123 = arith.andi %add3A_120, %and3A_122 : vector<16xi32>
      %add3A_124 = arith.addi %and3A_123, %mul3A_43 : vector<16xi32>
      %mul3A_125 = arith.constant 16 : i32
      %mul3A_126 = arith.muli %while3A_99, %mul3A_125 : i32
      %swap3A = arith.index_cast %mul3A_126 : i32 to index
      %swap3A_127 = tpu.vector_load %arg8[%swap3A] {strides = array<i32>} : memref<2048xi32, #tpu.memory_space<vmem>>, vector<16xi32>,
      tpu.vector_store %arg8[%swap3A], %add3A_124 {strides = array<i32>} : memref<2048xi32, #tpu.memory_space<vmem>>, vector<16xi32>,
    }
    %mul3A_65 = arith.constant 2048 : i32
    %mul3A_66 = arith.muli %add3A, %mul3A_65 : i32
    %mul3A_67 = arith.constant 0 : i32
    %mul3A_68 = arith.constant 128 : i32
    %mul3A_69 = arith.muli %mul3A_67, %mul3A_68 : i32
    %dma_start3A = tpu.memref_slice %arg8[%mul3A_69] : memref<2048xi32, #tpu.memory_space<vmem>> -> memref<128xi32, #tpu.memory_space<vmem>>
    %dma_start3A_70 = arith.constant 0 : i32
    %dma_start3A_71 = arith.constant 0 : i32
    %dma_start3A_72 = tpu.memref_slice %arg2[%dma_start3A_70, %dma_start3A_71] : memref<1048576x128xf32, #tpu.memory_space<hbm>> -> memref<1048576x128xf32, #tpu.memory_space<hbm>>
    tpu.enqueue_indirect_dma source(%dma_start3A_72 : memref<1048576x128xf32, #tpu.memory_space<hbm>>) target(%arg9 : memref<128x128xf32, #tpu.memory_space<vmem>>) offsets(%dma_start3A : memref<128xi32, #tpu.memory_space<vmem>>) semaphore(%arg11 : memref<!tpu.dma_semaphore, #tpu.memory_space<semaphore_mem>>)
    %while3A_73 = arith.constant 0 : i32
    %while3A_74 = arith.constant 0 : i32
    %while3A_75 = arith.constant 16 : i32
    %while3A_76 = arith.subi %while3A_75, %while3A_74 : i32
    %while3A_77 = arith.addi %while3A_74, %while3A_76 : i32
    %while3A_78 = arith.constant 1 : i32
    %while3A_79 = arith.divsi %while3A_76, %while3A_78 : i32
    %while3A_80 = arith.muli %while3A_79, %while3A_78 : i32
    %while3A_81 = arith.addi %while3A_74, %while3A_80 : i32
    %while3A_82 = arith.constant 1 : i32
    scf.for %while3A_99 = %while3A_74 to %while3A_81 step %while3A_82  : i32 {
      %rem3A_100 = arith.constant 2 : i32
      %rem3A_101 = arith.remsi %while3A_99, %rem3A_100 : i32
      %eq3A_102 = arith.constant 0 : i32
      %eq3A_103 = arith.cmpi eq, %rem3A_101, %eq3A_102 : i32
      %convert_element_type3A = arith.extui %eq3A_103 : i1 to i32
      %cond3A = arith.constant 0 : i32
      %cond3A_104 = arith.cmpi ne, %convert_element_type3A, %cond3A : i32
      scf.if %cond3A_104 {
        %mul3A_109 = arith.constant 128 : i32
        %mul3A_110 = arith.muli %while3A_99, %mul3A_109 : i32
        %dma_wait3A_111 = tpu.memref_slice %arg8[%mul3A_110] : memref<2048xi32, #tpu.memory_space<vmem>> -> memref<128xi32, #tpu.memory_space<vmem>>
        %dma_wait3A_112 = arith.constant 0 : i32
        %dma_wait3A_113 = arith.constant 0 : i32
        %dma_wait3A_114 = tpu.memref_slice %arg2[%dma_wait3A_112, %dma_wait3A_113] : memref<1048576x128xf32, #tpu.memory_space<hbm>> -> memref<1048576x128xf32, #tpu.memory_space<hbm>>
        tpu.wait_indirect_dma semaphore(%arg11 : memref<!tpu.dma_semaphore, #tpu.memory_space<semaphore_mem>>) src(%dma_wait3A_114 : memref<1048576x128xf32, #tpu.memory_space<hbm>>) dst(%arg9 : memref<128x128xf32, #tpu.memory_space<vmem>>)
        %mul3A_115 = arith.constant 128 : i32
        %mul3A_116 = arith.muli %while3A_99, %mul3A_115 : i32
        %add3A_117 = arith.addi %mul3A_66, %mul3A_116 : i32
        %dma_start3A_118 = arith.constant 0 : i32
        %dma_start3A_119 = tpu.memref_slice %arg5[%add3A_117, %dma_start3A_118] : memref<65536x128xf32, #tpu.memory_space<hbm>> -> memref<128x128xf32, #tpu.memory_space<hbm>>
        %dma_start3A_120 = arith.constant 0 : i32
        %dma_start3A_121 = tpu.memref_slice %arg5[%add3A_117, %dma_start3A_120] : memref<65536x128xf32, #tpu.memory_space<hbm>> -> memref<128x128xf32, #tpu.memory_space<hbm>>
        tpu.enqueue_dma source(%arg9 : memref<128x128xf32, #tpu.memory_space<vmem>>) target(%dma_start3A_121 : memref<128x128xf32, #tpu.memory_space<hbm>>) target_semaphore(%arg13 : memref<!tpu.dma_semaphore, #tpu.memory_space<semaphore_mem>>)
        %add3A_122 = arith.constant 1 : i32
        %add3A_123 = arith.addi %while3A_99, %add3A_122 : i32
        %lt3A_124 = arith.constant 16 : i32
        %lt3A_125 = arith.cmpi slt, %add3A_123, %lt3A_124 : i32
        %convert_element_type3A_126 = arith.extui %lt3A_125 : i1 to i32
        %cond3A_127 = arith.constant 0 : i32
        %cond3A_128 = arith.cmpi ne, %convert_element_type3A_126, %cond3A_127 : i32
        scf.if %cond3A_128 {
          %ge3A = arith.constant 1 : i32
          %ge3A_129 = arith.cmpi sge, %while3A_99, %ge3A : i32
          %convert_element_type3A_130 = arith.extui %ge3A_129 : i1 to i32
          %cond3A_131 = arith.constant 0 : i32
          %cond3A_132 = arith.cmpi ne, %convert_element_type3A_130, %cond3A_131 : i32
          scf.if %cond3A_132 {
            %sub3A_141 = arith.constant 1 : i32
            %sub3A_142 = arith.subi %while3A_99, %sub3A_141 : i32
            %mul3A_143 = arith.constant 128 : i32
            %mul3A_144 = arith.muli %sub3A_142, %mul3A_143 : i32
            %add3A_145 = arith.addi %mul3A_66, %mul3A_144 : i32
            %dma_wait3A_146 = arith.constant 0 : i32
            %dma_wait3A_147 = tpu.memref_slice %arg5[%add3A_145, %dma_wait3A_146] : memref<65536x128xf32, #tpu.memory_space<hbm>> -> memref<128x128xf32, #tpu.memory_space<hbm>>
            %dma_wait3A_148 = arith.constant 0 : i32
            %dma_wait3A_149 = tpu.memref_slice %arg5[%add3A_145, %dma_wait3A_148] : memref<65536x128xf32, #tpu.memory_space<hbm>> -> memref<128x128xf32, #tpu.memory_space<hbm>>
            tpu.wait_dma2 semaphore(%arg14 : memref<!tpu.dma_semaphore, #tpu.memory_space<semaphore_mem>>) src(%arg10 : memref<128x128xf32, #tpu.memory_space<vmem>>) dst(%dma_wait3A_149 : memref<128x128xf32, #tpu.memory_space<hbm>>)
          } else {
          }
          %add3A_133 = arith.constant 1 : i32
          %add3A_134 = arith.addi %while3A_99, %add3A_133 : i32
          %mul3A_135 = arith.constant 128 : i32
          %mul3A_136 = arith.muli %add3A_134, %mul3A_135 : i32
          %dma_start3A_137 = tpu.memref_slice %arg8[%mul3A_136] : memref<2048xi32, #tpu.memory_space<vmem>> -> memref<128xi32, #tpu.memory_space<vmem>>
          %dma_start3A_138 = arith.constant 0 : i32
          %dma_start3A_139 = arith.constant 0 : i32
          %dma_start3A_140 = tpu.memref_slice %arg2[%dma_start3A_138, %dma_start3A_139] : memref<1048576x128xf32, #tpu.memory_space<hbm>> -> memref<1048576x128xf32, #tpu.memory_space<hbm>>
          tpu.enqueue_indirect_dma source(%dma_start3A_140 : memref<1048576x128xf32, #tpu.memory_space<hbm>>) target(%arg10 : memref<128x128xf32, #tpu.memory_space<vmem>>) offsets(%dma_start3A_137 : memref<128xi32, #tpu.memory_space<vmem>>) semaphore(%arg12 : memref<!tpu.dma_semaphore, #tpu.memory_space<semaphore_mem>>)
        } else {
        }
      } else {
      }
      %not3A = arith.constant true
      %not3A_105 = arith.xori %eq3A_103, %not3A : i1
      %convert_element_type3A_106 = arith.extui %not3A_105 : i1 to i32
      %cond3A_107 = arith.constant 0 : i32
      %cond3A_108 = arith.cmpi ne, %convert_element_type3A_106, %cond3A_107 : i32
      scf.if %cond3A_108 {
        %mul3A_109 = arith.constant 128 : i32
        %mul3A_110 = arith.muli %while3A_99, %mul3A_109 : i32
        %dma_wait3A_111 = tpu.memref_slice %arg8[%mul3A_110] : memref<2048xi32, #tpu.memory_space<vmem>> -> memref<128xi32, #tpu.memory_space<vmem>>
        %dma_wait3A_112 = arith.constant 0 : i32
        %dma_wait3A_113 = arith.constant 0 : i32
        %dma_wait3A_114 = tpu.memref_slice %arg2[%dma_wait3A_112, %dma_wait3A_113] : memref<1048576x128xf32, #tpu.memory_space<hbm>> -> memref<1048576x128xf32, #tpu.memory_space<hbm>>
        tpu.wait_indirect_dma semaphore(%arg12 : memref<!tpu.dma_semaphore, #tpu.memory_space<semaphore_mem>>) src(%dma_wait3A_114 : memref<1048576x128xf32, #tpu.memory_space<hbm>>) dst(%arg10 : memref<128x128xf32, #tpu.memory_space<vmem>>)
        %mul3A_115 = arith.constant 128 : i32
        %mul3A_116 = arith.muli %while3A_99, %mul3A_115 : i32
        %add3A_117 = arith.addi %mul3A_66, %mul3A_116 : i32
        %dma_start3A_118 = arith.constant 0 : i32
        %dma_start3A_119 = tpu.memref_slice %arg5[%add3A_117, %dma_start3A_118] : memref<65536x128xf32, #tpu.memory_space<hbm>> -> memref<128x128xf32, #tpu.memory_space<hbm>>
        %dma_start3A_120 = arith.constant 0 : i32
        %dma_start3A_121 = tpu.memref_slice %arg5[%add3A_117, %dma_start3A_120] : memref<65536x128xf32, #tpu.memory_space<hbm>> -> memref<128x128xf32, #tpu.memory_space<hbm>>
        tpu.enqueue_dma source(%arg10 : memref<128x128xf32, #tpu.memory_space<vmem>>) target(%dma_start3A_121 : memref<128x128xf32, #tpu.memory_space<hbm>>) target_semaphore(%arg14 : memref<!tpu.dma_semaphore, #tpu.memory_space<semaphore_mem>>)
        %add3A_122 = arith.constant 1 : i32
        %add3A_123 = arith.addi %while3A_99, %add3A_122 : i32
        %lt3A_124 = arith.constant 16 : i32
        %lt3A_125 = arith.cmpi slt, %add3A_123, %lt3A_124 : i32
        %convert_element_type3A_126 = arith.extui %lt3A_125 : i1 to i32
        %cond3A_127 = arith.constant 0 : i32
        %cond3A_128 = arith.cmpi ne, %convert_element_type3A_126, %cond3A_127 : i32
        scf.if %cond3A_128 {
          %sub3A_129 = arith.constant 1 : i32
          %sub3A_130 = arith.subi %while3A_99, %sub3A_129 : i32
          %mul3A_131 = arith.constant 128 : i32
          %mul3A_132 = arith.muli %sub3A_130, %mul3A_131 : i32
          %add3A_133 = arith.addi %mul3A_66, %mul3A_132 : i32
          %dma_wait3A_134 = arith.constant 0 : i32
          %dma_wait3A_135 = tpu.memref_slice %arg5[%add3A_133, %dma_wait3A_134] : memref<65536x128xf32, #tpu.memory_space<hbm>> -> memref<128x128xf32, #tpu.memory_space<hbm>>
          %dma_wait3A_136 = arith.constant 0 : i32
          %dma_wait3A_137 = tpu.memref_slice %arg5[%add3A_133, %dma_wait3A_136] : memref<65536x128xf32, #tpu.memory_space<hbm>> -> memref<128x128xf32, #tpu.memory_space<hbm>>
          tpu.wait_dma2 semaphore(%arg13 : memref<!tpu.dma_semaphore, #tpu.memory_space<semaphore_mem>>) src(%arg9 : memref<128x128xf32, #tpu.memory_space<vmem>>) dst(%dma_wait3A_137 : memref<128x128xf32, #tpu.memory_space<hbm>>)
          %add3A_138 = arith.constant 1 : i32
          %add3A_139 = arith.addi %while3A_99, %add3A_138 : i32
          %mul3A_140 = arith.constant 128 : i32
          %mul3A_141 = arith.muli %add3A_139, %mul3A_140 : i32
          %dma_start3A_142 = tpu.memref_slice %arg8[%mul3A_141] : memref<2048xi32, #tpu.memory_space<vmem>> -> memref<128xi32, #tpu.memory_space<vmem>>
          %dma_start3A_143 = arith.constant 0 : i32
          %dma_start3A_144 = arith.constant 0 : i32
          %dma_start3A_145 = tpu.memref_slice %arg2[%dma_start3A_143, %dma_start3A_144] : memref<1048576x128xf32, #tpu.memory_space<hbm>> -> memref<1048576x128xf32, #tpu.memory_space<hbm>>
          tpu.enqueue_indirect_dma source(%dma_start3A_145 : memref<1048576x128xf32, #tpu.memory_space<hbm>>) target(%arg9 : memref<128x128xf32, #tpu.memory_space<vmem>>) offsets(%dma_start3A_142 : memref<128xi32, #tpu.memory_space<vmem>>) semaphore(%arg11 : memref<!tpu.dma_semaphore, #tpu.memory_space<semaphore_mem>>)
        } else {
        }
      } else {
      }
    }
    %while3A_83 = arith.constant 1 : i32
    scf.for %while3A_99 = %while3A_81 to %while3A_77 step %while3A_83  : i32 {
      %rem3A_100 = arith.constant 2 : i32
      %rem3A_101 = arith.remsi %while3A_99, %rem3A_100 : i32
      %eq3A_102 = arith.constant 0 : i32
      %eq3A_103 = arith.cmpi eq, %rem3A_101, %eq3A_102 : i32
      %convert_element_type3A = arith.extui %eq3A_103 : i1 to i32
      %cond3A = arith.constant 0 : i32
      %cond3A_104 = arith.cmpi ne, %convert_element_type3A, %cond3A : i32
      scf.if %cond3A_104 {
        %mul3A_109 = arith.constant 128 : i32
        %mul3A_110 = arith.muli %while3A_99, %mul3A_109 : i32
        %dma_wait3A_111 = tpu.memref_slice %arg8[%mul3A_110] : memref<2048xi32, #tpu.memory_space<vmem>> -> memref<128xi32, #tpu.memory_space<vmem>>
        %dma_wait3A_112 = arith.constant 0 : i32
        %dma_wait3A_113 = arith.constant 0 : i32
        %dma_wait3A_114 = tpu.memref_slice %arg2[%dma_wait3A_112, %dma_wait3A_113] : memref<1048576x128xf32, #tpu.memory_space<hbm>> -> memref<1048576x128xf32, #tpu.memory_space<hbm>>
        tpu.wait_indirect_dma semaphore(%arg11 : memref<!tpu.dma_semaphore, #tpu.memory_space<semaphore_mem>>) src(%dma_wait3A_114 : memref<1048576x128xf32, #tpu.memory_space<hbm>>) dst(%arg9 : memref<128x128xf32, #tpu.memory_space<vmem>>)
        %mul3A_115 = arith.constant 128 : i32
        %mul3A_116 = arith.muli %while3A_99, %mul3A_115 : i32
        %add3A_117 = arith.addi %mul3A_66, %mul3A_116 : i32
        %dma_start3A_118 = arith.constant 0 : i32
        %dma_start3A_119 = tpu.memref_slice %arg5[%add3A_117, %dma_start3A_118] : memref<65536x128xf32, #tpu.memory_space<hbm>> -> memref<128x128xf32, #tpu.memory_space<hbm>>
        %dma_start3A_120 = arith.constant 0 : i32
        %dma_start3A_121 = tpu.memref_slice %arg5[%add3A_117, %dma_start3A_120] : memref<65536x128xf32, #tpu.memory_space<hbm>> -> memref<128x128xf32, #tpu.memory_space<hbm>>
        tpu.enqueue_dma source(%arg9 : memref<128x128xf32, #tpu.memory_space<vmem>>) target(%dma_start3A_121 : memref<128x128xf32, #tpu.memory_space<hbm>>) target_semaphore(%arg13 : memref<!tpu.dma_semaphore, #tpu.memory_space<semaphore_mem>>)
        %add3A_122 = arith.constant 1 : i32
        %add3A_123 = arith.addi %while3A_99, %add3A_122 : i32
        %lt3A_124 = arith.constant 16 : i32
        %lt3A_125 = arith.cmpi slt, %add3A_123, %lt3A_124 : i32
        %convert_element_type3A_126 = arith.extui %lt3A_125 : i1 to i32
        %cond3A_127 = arith.constant 0 : i32
        %cond3A_128 = arith.cmpi ne, %convert_element_type3A_126, %cond3A_127 : i32
        scf.if %cond3A_128 {
          %ge3A = arith.constant 1 : i32
          %ge3A_129 = arith.cmpi sge, %while3A_99, %ge3A : i32
          %convert_element_type3A_130 = arith.extui %ge3A_129 : i1 to i32
          %cond3A_131 = arith.constant 0 : i32
          %cond3A_132 = arith.cmpi ne, %convert_element_type3A_130, %cond3A_131 : i32
          scf.if %cond3A_132 {
            %sub3A_141 = arith.constant 1 : i32
            %sub3A_142 = arith.subi %while3A_99, %sub3A_141 : i32
            %mul3A_143 = arith.constant 128 : i32
            %mul3A_144 = arith.muli %sub3A_142, %mul3A_143 : i32
            %add3A_145 = arith.addi %mul3A_66, %mul3A_144 : i32
            %dma_wait3A_146 = arith.constant 0 : i32
            %dma_wait3A_147 = tpu.memref_slice %arg5[%add3A_145, %dma_wait3A_146] : memref<65536x128xf32, #tpu.memory_space<hbm>> -> memref<128x128xf32, #tpu.memory_space<hbm>>
            %dma_wait3A_148 = arith.constant 0 : i32
            %dma_wait3A_149 = tpu.memref_slice %arg5[%add3A_145, %dma_wait3A_148] : memref<65536x128xf32, #tpu.memory_space<hbm>> -> memref<128x128xf32, #tpu.memory_space<hbm>>
            tpu.wait_dma2 semaphore(%arg14 : memref<!tpu.dma_semaphore, #tpu.memory_space<semaphore_mem>>) src(%arg10 : memref<128x128xf32, #tpu.memory_space<vmem>>) dst(%dma_wait3A_149 : memref<128x128xf32, #tpu.memory_space<hbm>>)
          } else {
          }
          %add3A_133 = arith.constant 1 : i32
          %add3A_134 = arith.addi %while3A_99, %add3A_133 : i32
          %mul3A_135 = arith.constant 128 : i32
          %mul3A_136 = arith.muli %add3A_134, %mul3A_135 : i32
          %dma_start3A_137 = tpu.memref_slice %arg8[%mul3A_136] : memref<2048xi32, #tpu.memory_space<vmem>> -> memref<128xi32, #tpu.memory_space<vmem>>
          %dma_start3A_138 = arith.constant 0 : i32
          %dma_start3A_139 = arith.constant 0 : i32
          %dma_start3A_140 = tpu.memref_slice %arg2[%dma_start3A_138, %dma_start3A_139] : memref<1048576x128xf32, #tpu.memory_space<hbm>> -> memref<1048576x128xf32, #tpu.memory_space<hbm>>
          tpu.enqueue_indirect_dma source(%dma_start3A_140 : memref<1048576x128xf32, #tpu.memory_space<hbm>>) target(%arg10 : memref<128x128xf32, #tpu.memory_space<vmem>>) offsets(%dma_start3A_137 : memref<128xi32, #tpu.memory_space<vmem>>) semaphore(%arg12 : memref<!tpu.dma_semaphore, #tpu.memory_space<semaphore_mem>>)
        } else {
        }
      } else {
      }
      %not3A = arith.constant true
      %not3A_105 = arith.xori %eq3A_103, %not3A : i1
      %convert_element_type3A_106 = arith.extui %not3A_105 : i1 to i32
      %cond3A_107 = arith.constant 0 : i32
      %cond3A_108 = arith.cmpi ne, %convert_element_type3A_106, %cond3A_107 : i32
      scf.if %cond3A_108 {
        %mul3A_109 = arith.constant 128 : i32
        %mul3A_110 = arith.muli %while3A_99, %mul3A_109 : i32
        %dma_wait3A_111 = tpu.memref_slice %arg8[%mul3A_110] : memref<2048xi32, #tpu.memory_space<vmem>> -> memref<128xi32, #tpu.memory_space<vmem>>
        %dma_wait3A_112 = arith.constant 0 : i32
        %dma_wait3A_113 = arith.constant 0 : i32
        %dma_wait3A_114 = tpu.memref_slice %arg2[%dma_wait3A_112, %dma_wait3A_113] : memref<1048576x128xf32, #tpu.memory_space<hbm>> -> memref<1048576x128xf32, #tpu.memory_space<hbm>>
        tpu.wait_indirect_dma semaphore(%arg12 : memref<!tpu.dma_semaphore, #tpu.memory_space<semaphore_mem>>) src(%dma_wait3A_114 : memref<1048576x128xf32, #tpu.memory_space<hbm>>) dst(%arg10 : memref<128x128xf32, #tpu.memory_space<vmem>>)
        %mul3A_115 = arith.constant 128 : i32
        %mul3A_116 = arith.muli %while3A_99, %mul3A_115 : i32
        %add3A_117 = arith.addi %mul3A_66, %mul3A_116 : i32
        %dma_start3A_118 = arith.constant 0 : i32
        %dma_start3A_119 = tpu.memref_slice %arg5[%add3A_117, %dma_start3A_118] : memref<65536x128xf32, #tpu.memory_space<hbm>> -> memref<128x128xf32, #tpu.memory_space<hbm>>
        %dma_start3A_120 = arith.constant 0 : i32
        %dma_start3A_121 = tpu.memref_slice %arg5[%add3A_117, %dma_start3A_120] : memref<65536x128xf32, #tpu.memory_space<hbm>> -> memref<128x128xf32, #tpu.memory_space<hbm>>
        tpu.enqueue_dma source(%arg10 : memref<128x128xf32, #tpu.memory_space<vmem>>) target(%dma_start3A_121 : memref<128x128xf32, #tpu.memory_space<hbm>>) target_semaphore(%arg14 : memref<!tpu.dma_semaphore, #tpu.memory_space<semaphore_mem>>)
        %add3A_122 = arith.constant 1 : i32
        %add3A_123 = arith.addi %while3A_99, %add3A_122 : i32
        %lt3A_124 = arith.constant 16 : i32
        %lt3A_125 = arith.cmpi slt, %add3A_123, %lt3A_124 : i32
        %convert_element_type3A_126 = arith.extui %lt3A_125 : i1 to i32
        %cond3A_127 = arith.constant 0 : i32
        %cond3A_128 = arith.cmpi ne, %convert_element_type3A_126, %cond3A_127 : i32
        scf.if %cond3A_128 {
          %sub3A_129 = arith.constant 1 : i32
          %sub3A_130 = arith.subi %while3A_99, %sub3A_129 : i32
          %mul3A_131 = arith.constant 128 : i32
          %mul3A_132 = arith.muli %sub3A_130, %mul3A_131 : i32
          %add3A_133 = arith.addi %mul3A_66, %mul3A_132 : i32
          %dma_wait3A_134 = arith.constant 0 : i32
          %dma_wait3A_135 = tpu.memref_slice %arg5[%add3A_133, %dma_wait3A_134] : memref<65536x128xf32, #tpu.memory_space<hbm>> -> memref<128x128xf32, #tpu.memory_space<hbm>>
          %dma_wait3A_136 = arith.constant 0 : i32
          %dma_wait3A_137 = tpu.memref_slice %arg5[%add3A_133, %dma_wait3A_136] : memref<65536x128xf32, #tpu.memory_space<hbm>> -> memref<128x128xf32, #tpu.memory_space<hbm>>
          tpu.wait_dma2 semaphore(%arg13 : memref<!tpu.dma_semaphore, #tpu.memory_space<semaphore_mem>>) src(%arg9 : memref<128x128xf32, #tpu.memory_space<vmem>>) dst(%dma_wait3A_137 : memref<128x128xf32, #tpu.memory_space<hbm>>)
          %add3A_138 = arith.constant 1 : i32
          %add3A_139 = arith.addi %while3A_99, %add3A_138 : i32
          %mul3A_140 = arith.constant 128 : i32
          %mul3A_141 = arith.muli %add3A_139, %mul3A_140 : i32
          %dma_start3A_142 = tpu.memref_slice %arg8[%mul3A_141] : memref<2048xi32, #tpu.memory_space<vmem>> -> memref<128xi32, #tpu.memory_space<vmem>>
          %dma_start3A_143 = arith.constant 0 : i32
          %dma_start3A_144 = arith.constant 0 : i32
          %dma_start3A_145 = tpu.memref_slice %arg2[%dma_start3A_143, %dma_start3A_144] : memref<1048576x128xf32, #tpu.memory_space<hbm>> -> memref<1048576x128xf32, #tpu.memory_space<hbm>>
          tpu.enqueue_indirect_dma source(%dma_start3A_145 : memref<1048576x128xf32, #tpu.memory_space<hbm>>) target(%arg9 : memref<128x128xf32, #tpu.memory_space<vmem>>) offsets(%dma_start3A_142 : memref<128xi32, #tpu.memory_space<vmem>>) semaphore(%arg11 : memref<!tpu.dma_semaphore, #tpu.memory_space<semaphore_mem>>)
        } else {
        }
      } else {
      }
    }
    %mul3A_84 = arith.constant 14 : i32
    %mul3A_85 = arith.constant 128 : i32
    %mul3A_86 = arith.muli %mul3A_84, %mul3A_85 : i32
    %add3A_87 = arith.addi %mul3A_66, %mul3A_86 : i32
    %dma_wait3A = arith.constant 0 : i32
    %dma_wait3A_88 = tpu.memref_slice %arg5[%add3A_87, %dma_wait3A] : memref<65536x128xf32, #tpu.memory_space<hbm>> -> memref<128x128xf32, #tpu.memory_space<hbm>>
    %dma_wait3A_89 = arith.constant 0 : i32
    %dma_wait3A_90 = tpu.memref_slice %arg5[%add3A_87, %dma_wait3A_89] : memref<65536x128xf32, #tpu.memory_space<hbm>> -> memref<128x128xf32, #tpu.memory_space<hbm>>
    tpu.wait_dma2 semaphore(%arg13 : memref<!tpu.dma_semaphore, #tpu.memory_space<semaphore_mem>>) src(%arg9 : memref<128x128xf32, #tpu.memory_space<vmem>>) dst(%dma_wait3A_90 : memref<128x128xf32, #tpu.memory_space<hbm>>)
    %mul3A_91 = arith.constant 15 : i32
    %mul3A_92 = arith.constant 128 : i32
    %mul3A_93 = arith.muli %mul3A_91, %mul3A_92 : i32
    %add3A_94 = arith.addi %mul3A_66, %mul3A_93 : i32
    %dma_wait3A_95 = arith.constant 0 : i32
    %dma_wait3A_96 = tpu.memref_slice %arg5[%add3A_94, %dma_wait3A_95] : memref<65536x128xf32, #tpu.memory_space<hbm>> -> memref<128x128xf32, #tpu.memory_space<hbm>>
    %dma_wait3A_97 = arith.constant 0 : i32
    %dma_wait3A_98 = tpu.memref_slice %arg5[%add3A_94, %dma_wait3A_97] : memref<65536x128xf32, #tpu.memory_space<hbm>> -> memref<128x128xf32, #tpu.memory_space<hbm>>
    tpu.wait_dma2 semaphore(%arg14 : memref<!tpu.dma_semaphore, #tpu.memory_space<semaphore_mem>>) src(%arg10 : memref<128x128xf32, #tpu.memory_space<vmem>>) dst(%dma_wait3A_98 : memref<128x128xf32, #tpu.memory_space<hbm>>)
    return
  }
}

module attributes {stable_mosaic.version = 14 : i64} {
  func.func @_fusion_body(%arg0: i32, %arg1: memref<1024x1024xf32, #tpu.memory_space<vmem>>, %arg2: memref<1024x1024xf32, #tpu.memory_space<vmem>>, %arg3: memref<1024x1024xbf16, #tpu.memory_space<vmem>>, %arg4: memref<1024x1024xbf16, #tpu.memory_space<vmem>>, %arg5: memref<1x1024xf32, #tpu.memory_space<vmem>>, %arg6: memref<1024x1024xf32, #tpu.memory_space<vmem>>) attributes {dimension_semantics = [#tpu.dimension_semantics<arbitrary>], iteration_bounds = array<i64: 8>, scalar_prefetch = 0 : i64, scratch_operands = 0 : i64, tpu.core_type = #tpu.core_type<tc>, window_params = [{transform_indices = @transform_0, window_bounds = array<i64: 1024, 1024>}, {transform_indices = @transform_1, window_bounds = array<i64: 1024, 1024>}, {transform_indices = @transform_2, window_bounds = array<i64: 1024, 1024>}, {transform_indices = @transform_3, window_bounds = array<i64: 1024, 1024>}, {transform_indices = @transform_4, window_bounds = array<i64: 1, 1024>}, {transform_indices = @transform_5, window_bounds = array<i64: 1024, 1024>}]} {
    %get3A = arith.constant 0 : index
    %get3A_0 = arith.constant 0 : index
    %get3A_1 = vector.load %arg1[%get3A, %get3A_0] : memref<1024x1024xf32, #tpu.memory_space<vmem>>, vector<1024x1024xf32>
    %get3A_2 = arith.constant 0 : index
    %get3A_3 = arith.constant 0 : index
    %get3A_4 = vector.load %arg2[%get3A_2, %get3A_3] : memref<1024x1024xf32, #tpu.memory_space<vmem>>, vector<1024x1024xf32>
    %convert_element_type3A = arith.truncf %get3A_1 : vector<1024x1024xf32> to vector<1024x1024xbf16>
    %get3A_5 = arith.constant 0 : index
    %get3A_6 = arith.constant 0 : index
    %get3A_7 = vector.load %arg3[%get3A_5, %get3A_6] : memref<1024x1024xbf16, #tpu.memory_space<vmem>>, vector<1024x1024xbf16>
    %dot_general3A = arith.constant dense<0.000000e+00> : vector<1024x1024xf32>
    %dot_general3A_8 = tpu.matmul %convert_element_type3A, %get3A_7, %dot_general3A {dimension_numbers = #tpu.dot_dimension_numbers<[1], [1], [0], [0], [0, 0, 1, 0], [], []>, transpose_lhs_hint = false} : vector<1024x1024xbf16>, vector<1024x1024xbf16>, vector<1024x1024xf32> -> vector<1024x1024xf32>
    %convert_element_type3A_9 = arith.truncf %get3A_4 : vector<1024x1024xf32> to vector<1024x1024xbf16>
    %get3A_10 = arith.constant 0 : index
    %get3A_11 = arith.constant 0 : index
    %get3A_12 = vector.load %arg4[%get3A_10, %get3A_11] : memref<1024x1024xbf16, #tpu.memory_space<vmem>>, vector<1024x1024xbf16>
    %dot_general3A_13 = arith.constant dense<0.000000e+00> : vector<1024x1024xf32>
    %dot_general3A_14 = tpu.matmul %convert_element_type3A_9, %get3A_12, %dot_general3A_13 {dimension_numbers = #tpu.dot_dimension_numbers<[1], [1], [0], [0], [0, 0, 1, 0], [], []>, transpose_lhs_hint = false} : vector<1024x1024xbf16>, vector<1024x1024xbf16>, vector<1024x1024xf32> -> vector<1024x1024xf32>
    %add3A = arith.addf %dot_general3A_8, %dot_general3A_14 : vector<1024x1024xf32>
    %get3A_15 = arith.constant 0 : index
    %get3A_16 = arith.constant 0 : index
    %get3A_17 = vector.load %arg5[%get3A_15, %get3A_16] : memref<1x1024xf32, #tpu.memory_space<vmem>>, vector<1x1024xf32>
    %add3A_18 = vector.broadcast %get3A_17 : vector<1x1024xf32> to vector<1024x1024xf32>
    %add3A_19 = arith.addf %add3A, %add3A_18 : vector<1024x1024xf32>
    %logistic3A = arith.negf %add3A_19 : vector<1024x1024xf32>
    %logistic3A_20 = math.exp %logistic3A : vector<1024x1024xf32>
    %logistic3A_21 = arith.constant 1.000000e+00 : f32
    %logistic3A_22 = vector.broadcast %logistic3A_21 : f32 to vector<1024x1024xf32>
    %logistic3A_23 = arith.addf %logistic3A_22, %logistic3A_20 : vector<1024x1024xf32>
    %logistic3A_24 = arith.divf %logistic3A_22, %logistic3A_23 : vector<1024x1024xf32>
    %mul3A = arith.mulf %logistic3A_24, %get3A_4 : vector<1024x1024xf32>
    %add3A_25 = arith.addf %get3A_1, %mul3A : vector<1024x1024xf32>
    %swap3A = arith.constant 0 : index
    %swap3A_26 = arith.constant 0 : index
    %swap3A_27 = vector.load %arg6[%swap3A, %swap3A_26] : memref<1024x1024xf32, #tpu.memory_space<vmem>>, vector<1024x1024xf32>
    tpu.vector_store %arg6[%swap3A, %swap3A_26], %add3A_25 {strides = array<i32>} : memref<1024x1024xf32, #tpu.memory_space<vmem>>, vector<1024x1024xf32>,
    return
  }
  func.func @transform_0(%arg0: i32) -> (i32, i32) {
    %sub3A = arith.subi %arg0, %arg0 : i32
    %c0_i32 = arith.constant 0 : i32
    return %arg0, %sub3A : i32, i32
  }
  func.func @transform_1(%arg0: i32) -> (i32, i32) {
    %sub3A = arith.subi %arg0, %arg0 : i32
    %c0_i32 = arith.constant 0 : i32
    return %arg0, %sub3A : i32, i32
  }
  func.func @transform_2(%arg0: i32) -> (i32, i32) {
    %sub3A = arith.subi %arg0, %arg0 : i32
    %sub3A_0 = arith.subi %arg0, %arg0 : i32
    %c0_i32 = arith.constant 0 : i32
    return %sub3A, %sub3A_0 : i32, i32
  }
  func.func @transform_3(%arg0: i32) -> (i32, i32) {
    %sub3A = arith.subi %arg0, %arg0 : i32
    %sub3A_0 = arith.subi %arg0, %arg0 : i32
    %c0_i32 = arith.constant 0 : i32
    return %sub3A, %sub3A_0 : i32, i32
  }
  func.func @transform_4(%arg0: i32) -> (i32, i32) {
    %sub3A = arith.subi %arg0, %arg0 : i32
    %sub3A_0 = arith.subi %arg0, %arg0 : i32
    %c0_i32 = arith.constant 0 : i32
    return %sub3A, %sub3A_0 : i32, i32
  }
  func.func @transform_5(%arg0: i32) -> (i32, i32) {
    %sub3A = arith.subi %arg0, %arg0 : i32
    %c0_i32 = arith.constant 0 : i32
    return %arg0, %sub3A : i32, i32
  }
}

</mosaic_0001>

<sc_bundles>
// kernel: kernel.4.cloned.1.call-start
scs
__scs_entry_jumppad:
0x0: {  	(pc) =	sbr.rel $0x88, $3  }
0x1: {  	(tag) =	ssettag $0x0;
	lr =	simm.s32 $0x1  }
0x2: {  	[smem:$0x3F9B] =	sst lr;
	_ =	strace $0xD0000000  }
0x3: {  	_ = 	snop  }
0x4: {  	_ = 	snop  }
0x5: {  	_ = 	snop  }
0x6: {  	_ = 	snop  }
0x7: {  	_ = 	snop  }
__scs_overlays_trampoline_lowered:
0x8: {  	[smem:$0x3FAA] =	sst s0  }
0x9: {  	[smem:$0x3FAB] =	sst s1  }
0xa: {  	[smem:$0x3FAC] =	sst s2  }
0xb: {  	[smem:$0x3FAD] =	sst s3  }
0xc: {  	[smem:$0x3FAE] =	sst s4  }
0xd: {  	[smem:$0x3FAF] =	sst s5  }
0xe: {  	[smem:$0x3FB0] =	sst s6  }
0xf: {  	[smem:$0x3FB1] =	sst s7  }
0x10: {  	[smem:$0x3FB2] =	sst s8  }
0x11: {  	[smem:$0x3FB3] =	sst s9;
	s0 =	simm.s32 @!p0 $0x0  }
0x12: {  	s1 =	sld [smem:$0x3F99];
	s0 =	simm.s32 @p0 $0x1  }
0x13: {  	[smem:$0x3FB4] =	sst s0;
	s0 =	simm.s32 @!p1 $0x0  }
0x14: {  	s2 =	sld [smem:$0x3F98];
	s0 =	simm.s32 @p1 $0x1  }
0x15: {  	[smem:$0x3FB5] =	sst s0;
	s0 =	simm.s32 @!p2 $0x0  }
0x16: {  	s3 =	sld [smem:$0x3FDB];
	s0 =	simm.s32 @p2 $0x1  }
0x17: {  	s4 =	simm.s32 $0x1BF5;
	[smem:$0x3FB7] =	sst s0  }
0x18: {  	s0 =	sld [smem:$0x3F9A];
	_ =	swait.ge [sflag:s4], $0x0  }
0x19: {  	s7 =	sld [smem:$0x3F9B]  }
0x1a: {  	s8 =	sadd.s32 $0xFFFFE003, lr  }
0x1b: {  	s9 =	sadd.s32 $0xFFFFFEF7, lr;
	s5 =	simm.s32 $0xFFFFFFFF;
	p2 =	slt.u32 s8, $0xFFFFF086  }
0x1c: {  	p1 =	slt.u32 s9, $0xF7A;
	s5 =	simm.s32 @!p2 $0x0  }
0x1d: {  	s5 =	simm.s32 @p1 $0x1;
	p0 =	seq.s32 s7, s2  }
0x1e: {  	s7 =	smul.u32 @!p0 $0xF7A, s2;
	p2 =	seq.s32 @!p0 s5, $0x0  }
0x1f: {  	s9 =	smul.u32 $0xF7A, s1;
	s8 =	simm.s32 @!p0 $0x1BF5;
	p2 =	por !p2, p0  }
0x20: {  	[sflag:s8] =	ssyncset.s32 @!p0 $0xFFFFF086;
	s6 =	sadd.s32 @!p0 s3, s7;
	s7 =	simm.s32 @!p0 $0x108  }
0x21: {  	s3 =	sadd.s32 s3, s9;
	s6 =	sadd.s32 @!p0 $0x88, s6;
	s7 =	simm.s32 @p2 $0x1082  }
0x22: {  	[simem:s7], [sflag:s8] =	dma.local @!p0 [hbm:s6], $0xF7A  }
0x23: {  	s9 =	sor.u32 $0xD0000000, s2;
	s6 =	simm.s32 $0x108;
	_ =	swait.ge @!p0 [sflag:s8], $0x0  }
0x24: {  	s3 =	sadd.s32 $0x88, s3;
	s6 =	simm.s32 @!p1 $0x1082;
	[sflag:s4] =	ssyncset.s32 $0xFFFFF086  }
0x25: {  	[simem:s6], [sflag:s4] =	dma.local [hbm:s3], $0xF7A  }
0x26: {  	[smem:$0x3F9B] =	sst s1;
	(tag) =	ssettag s2;
	_ =	strace s9  }
0x27: {  	s1 =	sld [smem:$0x3FAB]  }
0x28: {  	s2 =	sld [smem:$0x3FAC]  }
0x29: {  	s4 =	sld [smem:$0x3FAE]  }
0x2a: {  	p0 =	seq.s32 s5, $0x0;
	s5 =	sld [smem:$0x3FAF]  }
0x2b: {  	s6 =	sld [smem:$0x3FB0]  }
0x2c: {  	s7 =	sld [smem:$0x3FB1]  }
0x2d: {  	s3 =	simm.s32 $0x108;
	s8 =	sld [smem:$0x3FB2]  }
0x2e: {  	s3 =	simm.s32 @!p0 $0x1082;
	s9 =	sld [smem:$0x3FB3]  }
0x2f: {  	lr =	sadd.s32 s0, s3;
	s0 =	sld [smem:$0x3FAA]  }
0x30: {  	s3 =	sld [smem:$0x3FAD]  }
0x31: {  	[smem:$0x3FB6] =	sst s10  }
0x32: {  	s10 =	sld [smem:$0x3FB4];
	_ =	sdelay $0x3  }
0x33: {  	p0 =	seq.s32 s10, $0x1;
	s10 =	sld [smem:$0x3FB6];
	_ =	sdelay $0x3  }
0x34: {  	[smem:$0x3FB6] =	sst s10  }
0x35: {  	s10 =	sld [smem:$0x3FB5];
	_ =	sdelay $0x3  }
0x36: {  	p1 =	seq.s32 s10, $0x1;
	s10 =	sld [smem:$0x3FB6];
	_ =	sdelay $0x3  }
0x37: {  	[smem:$0x3FB6] =	sst s10  }
0x38: {  	s10 =	sld [smem:$0x3FB7]  }
0x39: {  	_ = 	snop;
	(pc) =	sbr.ind lr, $3  }
0x3a: {  	_ = 	snop  }
0x3b: {  	_ = 	snop  }
0x3c: {  	p2 =	seq.s32 s10, $0x1;
	s10 =	sld [smem:$0x3FB6]  }
0x3d: {  	_ =	shalt  }
0x3e: {  	_ =	shalt  }
0x3f: {  	_ =	shalt  }
0x40: {  	_ =	shalt  }
0x41: {  	_ =	shalt  }
0x42: {  	_ =	shalt  }
0x43: {  	_ =	shalt  }
0x44: {  	_ =	shalt  }
0x45: {  	_ =	shalt  }
0x46: {  	_ =	shalt  }
0x47: {  	_ =	shalt  }
0x48: {  	_ =	shalt  }
0x49: {  	_ =	shalt  }
0x4a: {  	_ =	shalt  }
0x4b: {  	_ =	shalt  }
0x4c: {  	_ =	shalt  }
0x4d: {  	_ =	shalt  }
0x4e: {  	_ =	shalt  }
0x4f: {  	_ =	shalt  }
0x50: {  	_ =	shalt  }
0x51: {  	_ =	shalt  }
0x52: {  	_ =	shalt  }
0x53: {  	_ =	shalt  }
0x54: {  	_ =	shalt  }
0x55: {  	_ =	shalt  }
0x56: {  	_ =	shalt  }
0x57: {  	_ =	shalt  }
0x58: {  	_ =	shalt  }
0x59: {  	_ =	shalt  }
0x5a: {  	_ =	shalt  }
0x5b: {  	_ =	shalt  }
0x5c: {  	_ =	shalt  }
0x5d: {  	_ =	shalt  }
0x5e: {  	_ =	shalt  }
0x5f: {  	_ =	shalt  }
0x60: {  	_ =	shalt  }
0x61: {  	_ =	shalt  }
0x62: {  	_ =	shalt  }
0x63: {  	_ =	shalt  }
0x64: {  	_ =	shalt  }
0x65: {  	_ =	shalt  }
0x66: {  	_ =	shalt  }
0x67: {  	_ =	shalt  }
0x68: {  	_ =	shalt  }
0x69: {  	_ =	shalt  }
0x6a: {  	_ =	shalt  }
0x6b: {  	_ =	shalt  }
0x6c: {  	_ =	shalt  }
0x6d: {  	_ =	shalt  }
0x6e: {  	_ =	shalt  }
0x6f: {  	_ =	shalt  }
0x70: {  	_ =	shalt  }
0x71: {  	_ =	shalt  }
0x72: {  	_ =	shalt  }
0x73: {  	_ =	shalt  }
0x74: {  	_ =	shalt  }
0x75: {  	_ =	shalt  }
0x76: {  	_ =	shalt  }
0x77: {  	_ =	shalt  }
0x78: {  	_ =	shalt  }
0x79: {  	_ =	shalt  }
0x7a: {  	_ =	shalt  }
0x7b: {  	_ =	shalt  }
0x7c: {  	_ =	shalt  }
0x7d: {  	_ =	shalt  }
0x7e: {  	_ =	shalt  }
0x7f: {  	_ =	shalt  }
0x80: {  	_ =	shalt  }
0x81: {  	_ =	shalt  }
0x82: {  	_ =	shalt  }
0x83: {  	_ =	shalt  }
0x84: {  	_ =	shalt  }
0x85: {  	_ =	shalt  }
0x86: {  	_ =	shalt  }
0x87: {  	_ =	shalt  }
.Lfunc_end0:
.L_simem_size_0:
called_computation_lowered:
.L_overlay_start_0:
0x88: {  	s2 =	sld [smem:$0x3FD9]  }
0x89: {  	s3 =	sld [smem:$0x3FFE];
	_ =	sdelay $0x1  }
0x8a: {  	s1 =	srdreg.scid  }
0x8b: {  	s0 =	sand.u32 $0x1, s1  }
0x8c: {  	s17 =	sshll.u32 s0, $0xA;
	s2 =	sadd.s32 s3, s2  }
0x8d: {  	s2 =	sadd.s32 s2, s17  }
0x8e: {  	[smem:$0x3FC2] =	sst s2  }
0x8f: {  	_ = 	snop  }
0x90: {  	s2 =	sld [smem:$0x3FC7]  }
0x91: {  	s18 =	sld [smem:$0x3FD0];
	(tm) =	ssettm $0x1  }
0x92: {  	s4 =	sld [smem:$0x3FFB];
	_ =	sdelay $0x3  }
0x93: {  	_ =	strace s4  }
0x94: {  	s4 =	sld [smem:$0x3FFC];
	_ =	sdelay $0x3  }
0x95: {  	_ =	strace s4  }
0x96: {  	s4 =	sld [smem:$0x3FFD];
	_ =	sdelay $0x3  }
0x97: {  	_ =	strace s4  }
0x98: {  	_ =	strace $0x8FFFFFFF  }
0x99: {  	s19 =	sld [smem:$0x3FDB];
	_ =	sdelay $0x1  }
0x9a: {  	s5 =	simm.s32 $_scs_section_size  }
0x9b: {  	s6 =	simm.s32 $_size__tile_overlayer_lowered;
	s7 =	simm.s32 $_tile_overlayer_lowered  }
0x9c: {  	s22 =	simm.s32 $0x1BFF;
	s21 =	sshll.u32 s7, $0x1;
	s4 =	sadd.s32 s5, s19  }
0x9d: {  	s8 =	simm.s32 $0x0;
	s20 =	sshll.u32 s6, $0x1;
	s6 =	sadd.s32 s21, s4  }
0x9e: {  	[timem:s8], [sflag:s22] =	dma.local [hbm:s6], s20  }
0x9f: {  	_ =	swait.ge [sflag:s22], s20  }
0xa0: {  	s5 =	ssub.s32 $0x0, s20;
	[sflag:s22] =	ssyncset.done $0x0  }
0xa1: {  	[sflag:s22] =	ssyncadd.s32 s5;
	_ =	sdelay $0x1  }
0xa2: {  	s23 =	simm.s32 $0x1B8B  }
0xa3: {  	_ =	swait.ge [sflag:s23], $0x1  }
0xa4: {  	[sflag:s23] =	ssyncset.done $0x0  }
0xa5: {  	s25 =	simm.s32 $0x1B8E;
	s24 =	sld [smem:$0x3FFE];
	[sflag:s23] =	ssyncadd.s32 $0xFFFFFFFF  }
0xa6: {  	s26 =	simm.s32 $execute0_lowered;
	[smem:$0x3FD2] =	sst s25  }
0xa7: {  	s6 =	sshll.u32 s26, $0x1;
	_ =	strace $0x80000046;
	[dreg:$0x1] =	wrdreg $0xFFFFFFFF  }
0xa8: {  	s28 =	simm.s32 $_size_execute0_lowered;
	s4 =	sadd.s32 s4, s6;
	[dreg:$0x0] =	wrdreg $0x0  }
0xa9: {  	s6 =	sshll.u32 s28, $0x1;
	[dreg:$0x2] =	wrdreg s4  }
0xaa: {  	[dreg:$0x3] =	wrdreg s6  }
0xab: {  	[dreg:$0x4] =	wrdreg $0xC0  }
0xac: {  	_ =	task [dreg:s8], $0x5FFFF  }
0xad: {  	[dreg:$0x1] =	wrdreg $0xFFFFFFFF  }
0xae: {  	[dreg:$0x0] =	wrdreg $0x60  }
0xaf: {  	[dreg:$0x2] =	wrdreg s2  }
0xb0: {  	[dreg:$0x3] =	wrdreg s18  }
0xb1: {  	[dreg:$0x4] =	wrdreg s24  }
0xb2: {  	[dreg:$0x5] =	wrdreg $0x9  }
0xb3: {  	_ =	task.clear_ibuf [dreg:s8], $0x6FFFF;
	_ =	strace $0x90000046  }
0xb4: {  	s29 =	simm.s32 $0x9;
	_ =	strace $0x80000048  }
0xb5: {  	_ =	swait.ge [sflag:s29], $0x1  }
0xb6: {  	[sflag:s29] =	ssyncadd.s32 $0xFFFFFFFF  }
0xb7: {  	_ =	strace $0x90000048  }
0xb8: {  	_ =	sfence  }
0xb9: {  	s30 =	sld [smem:$0x0];
	_ =	sdelay $0x2  }
0xba: {  	s31 =	sshll.u32 s1, $0xD;
	s1 =	sshrl.u32 s1, $0x2  }
0xbb: {  	s3 =	sand.u32 $0x4000, s31;
	s1 =	sadd.s32 s1, s30  }
0xbc: {  	s0 =	sor.u32 s3, s0;
	s1 =	sshll.u32 s1, $0x11  }
0xbd: {  	s0 =	sor.u32 s1, s0  }
0xbe: {  	s0 =	sadd.s32 $0x8F2B, s0  }
0xbf: {  	[sflag:s0] =	ssyncadd.remote.s32 $0x1  }
0xc0: {  	_ =	sfence.sel $0xFFFF  }
0xc1: {  	[dreg:$0x0] =	wrdreg $0xFFFFFFFF;
	(pc) =	sbr.abs _section_cstart, $3  }
0xc2: {  	[dreg:$0x1] =	wrdreg $0xFFFFFFFF  }
0xc3: {  	_ =	task.clear_ibuf [dreg:s8], $0x2FFFF;
	_ =	strace $0x9FFFFFFF  }
0xc4: {  	(tm) =	ssettm $0x7FFFFFFF  }
0xc5: {  	_ =	shalt  }
tec
execute0_lowered:
.L_overlay_start_1:
0x0: {  	(tag) =	ssettag $0x1  }
0x1: {  	s1 =	rddreg [dreg:$0x0]  }
0x2: {  	s5 =	rddreg [dreg:$0x1]  }
0x3: {  	s6 =	rddreg [dreg:$0x2]  }
0x4: {  	s0 =	rddreg [dreg:$0x3];
	s3 =	simm.s32 $0x0;
	s4 =	srdreg.scid  }
0x5: {  	s2 =	stileid.u32;
	s13 =	simm.s32 $0xB80;
	s14 =	simm.s32 $0x1  }
0x6: {  	s15 =	simm.s32 $0x400;
	s16 =	simm.s32 $0x4B80;
	s17 =	simm.s32 $0x4  }
0x7: {  	s18 =	simm.s32 $0x3;
	s19 =	simm.s32 $0x2;
	s20 =	simm.s32 $0x0  }
0x8: {  	[smem:$0x7FF] =	sst s3;
	s7 =	sand.u32 $0x1, s4;
	s8 =	sshll.u32 s2, $0x1  }
0x9: {  	s4 =	sadd.s32 $0x800, s6;
	s9 =	sshrl.u32 s2, $0x3;
	s6 =	sadd.s32 $0xA00, s6  }
0xa: {  	s30 =	sshll.u32 s2, $0x10;
	_ =	strace $0x80000047;
	s8 =	sor.u32 s7, s8  }
0xb: {  	s10 =	ssub.s32 $0x2, s7;
	s9 =	smul.u32 $0x1010, s9;
	s7 =	sshll.u32 s7, $0xF  }
0xc: {  	s11 =	sshll.u32 s8, $0x8;
	s12 =	sshrl.u32 s10, $0x1;
	s8 =	sshll.u32 s8, $0xF  }
.Ltmp0:
0xd: {  	s11 =	sand.u32 $0xF00, s11;
	s10 =	ssub.s32 s10, s12;
	(pc) =	sbr.rel .LBB2_1-.Ltmp0, $4  }
0xe: {  	s12 =	simm.s32 $0x380;
	s9 =	sadd.s32 s9, s11;
	s11 =	sadd.s32 s30, s6  }
0xf: {  	v0 =	vlaneseq.u32;
	s6 =	sadd.s32 s6, s8;
	s9 =	sshrl.u32 s9, $0x3;
	s31 =	sadd.s32 s7, s11  }
0x10: {  	v1 =	vand.u32 $0x7, v0;
	s7 =	smax.u32 s10, $0x1;
	s10 =	simm.s32 $0x180;
	s11 =	simm.s32 $0x80  }
0x11: {  	v0 =	vshrl.u32 v0, $0x3;
	v1 =	vmul.u32 $0x20000, v1;
	s5 =	sadd.s32 s5, s9;
	s8 =	sadd.s32 $0x800, s31;
	s9 =	simm.s32 $0x5  }
.LBB2_9:
0x12: {  	s20 =	sadd.s32 $0x1, s20  }
0x13: {  	_ =	swait.ge [sflag:s18], $0x4000;
	p0 =	sne.s32 s20, s7  }
.Ltmp1:
0x14: {  	[sflag:s18] =	ssyncset.done $0x0;
	(pc) =	sbr.rel @!p0 .LBB2_10-.Ltmp1, $4  }
0x15: {  	[sflag:s18] =	ssyncadd.s32 $0xFFFFC000  }
0x16: {  	_ =	swait.ge [sflag:s17], $0x4000  }
0x17: {  	[sflag:s17] =	ssyncset.done $0x0  }
0x18: {  	[sflag:s17] =	ssyncadd.s32 $0xFFFFC000  }
.LBB2_1:
0x19: {  	[tilespmem:s3], [sflag:$0x5] =	stream.linear.gather [hbm4b:s5+s3], $0x110, $0x38;
	[tilespmem:$0x8B80] =	vst v63  }
0x1a: {  	_ =	swait.ge [sflag:s9], $0x110  }
0x1b: {  	[sflag:s9] =	ssyncset.done $0x0  }
0x1c: {  	[sflag:s9] =	ssyncadd.s32 $0xFFFFFEF0  }
0x1d: {  	[tilespmem:s10], [sflag:$0x5] =	stream.linear.gather [hbm4b:s4+s3], $0x180, $0x38;
	[tilespmem:$0x8B80] =	vst v63  }
0x1e: {  	s21 =	simm.s32 $0x6;
	_ =	swait.ge [sflag:s9], $0x180  }
0x1f: {  	s26 =	simm.s32 $0x7;
	v5 =	vor.u32 s21, v0;
	[sflag:s9] =	ssyncset.done $0x0  }
0x20: {  	s22 =	simm.s32 $0x8;
	v6 =	vadd.s32 s26, v0;
	[sflag:s9] =	ssyncadd.s32 $0xFFFFFE80  }
0x21: {  	v7 =	vor.u32 s22, v0;
	v2 =	vld [tilespmem:$0x180]  }
0x22: {  	v3 =	vld [tilespmem:$0x200]  }
0x23: {  	v4 =	vld [tilespmem:$0x280]  }
0x24: {  	v5 =	vld.idx.msk [tilespmem:v5+s3+$0x0], $0xffff  }
0x25: {  	v6 =	vld.idx.msk [tilespmem:v6+s3+$0x0], $0xffff  }
0x26: {  	v7 =	vld.idx.msk [tilespmem:v7+s3+$0x0], $0xffff;
	_ =	sdelay $0x3  }
0x27: {  	v5 =	vmul.u32 v2, v5;
	v6 =	vmul.u32 v3, v6  }
0x28: {  	s28 =	simm.s32 $0x8;
	v7 =	vmul.u32 v4, v7  }
0x29: {  	s29 =	simm.s32 $0x9;
	v8 =	vor.u32 s28, v0;
	v5 =	vadd.s32 v5, v6  }
0x2a: {  	s30 =	simm.s32 $0xA;
	v6 =	vadd.s32 s29, v0;
	v5 =	vadd.s32 v7, v5  }
0x2b: {  	v7 =	vor.u32 s30, v0;
	v5 =	vand.u32 $0x1FFFF, v5  }
0x2c: {  	v5 =	vor.u32 v1, v5  }
0x2d: {  	[tilespmem:s12+$0x0] =	vst v5  }
0x2e: {  	v5 =	vld.idx.msk [tilespmem:v8+s3+$0x0], $0xffff  }
0x2f: {  	v6 =	vld.idx.msk [tilespmem:v6+s3+$0x0], $0xffff  }
0x30: {  	v7 =	vld.idx.msk [tilespmem:v7+s3+$0x0], $0xffff;
	_ =	sdelay $0x3  }
0x31: {  	v8 =	vmul.u32 v2, v5;
	v9 =	vmul.u32 v3, v6  }
0x32: {  	s31 =	simm.s32 $0xA;
	s24 =	simm.s32 $0xB;
	v6 =	vmul.u32 v4, v7  }
0x33: {  	s23 =	simm.s32 $0xE;
	s21 =	simm.s32 $0xC;
	s22 =	simm.s32 $0x380;
	v5 =	vor.u32 s31, v0;
	v7 =	vadd.s32 v8, v9  }
.LBB2_2:
0x34: {  	p0 =	sne.s32 s23, $0x106;
	v8 =	vadd.s32 s24, v0;
	v6 =	vadd.s32 v6, v7  }
0x35: {  	v7 =	vor.u32 s21, v0;
	s21 =	smov.u32 s23;
	v6 =	vand.u32 $0x1FFFF, v6  }
0x36: {  	s22 =	sadd.s32 $0x10, s22;
	v6 =	vor.u32 v1, v6  }
0x37: {  	[tilespmem:s22+$0x0] =	vst v6  }
0x38: {  	v5 =	vld.idx.msk [tilespmem:v5+s3+$0x0], $0xffff  }
0x39: {  	v6 =	vld.idx.msk [tilespmem:v8+s3+$0x0], $0xffff  }
0x3a: {  	v7 =	vld.idx.msk [tilespmem:v7+s3+$0x0], $0xffff;
	_ =	sdelay $0x2  }
.Ltmp2:
0x3b: {  	(pc) =	sbr.rel @p0 .LBB2_2-.Ltmp2, $4  }
0x3c: {  	_ = 	snop  }
0x3d: {  	v8 =	vmul.u32 v2, v5;
	v9 =	vmul.u32 v3, v6  }
0x3e: {  	s24 =	sadd.s32 $0xFFFFFFFE, s23;
	v6 =	vmul.u32 v4, v7  }
0x3f: {  	s23 =	sadd.s32 $0x2, s23;
	v5 =	vor.u32 s24, v0;
	s24 =	sadd.s32 $0xFFFFFFFF, s21;
	v7 =	vadd.s32 v8, v9  }
0x40: {  	v8 =	vadd.s32 s24, v0;
	v6 =	vadd.s32 v6, v7  }
0x41: {  	v63 =	vor.u32 s21, v0;
	v6 =	vand.u32 $0x1FFFF, v6  }
0x42: {  	s31 =	sadd.s32 $0x10, s22;
	v6 =	vor.u32 v1, v6  }
0x43: {  	[tilespmem:s31+$0x0] =	vst v6  }
0x44: {  	v5 =	vld.idx.msk [tilespmem:v5+s3+$0x0], $0xffff  }
0x45: {  	v6 =	vld.idx.msk [tilespmem:v8+s3+$0x0], $0xffff  }
0x46: {  	v7 =	vld.idx.msk [tilespmem:v63+s3+$0x0], $0xffff;
	_ =	sdelay $0x3  }
0x47: {  	v2 =	vmul.u32 v2, v5;
	v3 =	vmul.u32 v3, v6  }
0x48: {  	v4 =	vmul.u32 v4, v7  }
0x49: {  	v2 =	vadd.s32 v2, v3  }
0x4a: {  	v2 =	vadd.s32 v4, v2  }
0x4b: {  	v2 =	vand.u32 $0x1FFFF, v2  }
0x4c: {  	s21 =	sadd.s32 $0x10, s31;
	v2 =	vor.u32 v1, v2  }
0x4d: {  	[tilespmem:s21+$0x0] =	vst v2  }
0x4e: {  	[tilespmem:s13], [sflag:$0x1] =	stream.indirect.gather [hbm4b:s1+s11], $0x80, s12, s11, $0xb8;
	[tilespmem:$0x8B80] =	vst v63  }
0x4f: {  	_ =	swait.ge [sflag:s14], $0x4000  }
.Ltmp3:
0x50: {  	[sflag:s14] =	ssyncset.done $0x0;
	(pc) =	sbr.rel .LBB2_4-.Ltmp3, $4  }
0x51: {  	[sflag:s14] =	ssyncadd.s32 $0xFFFFC000  }
0x52: {  	[hbm4b:s6+s3] =	stream.linear.scatter [tilespmem:s13], [sflag:$0x3], $0x4000, $0x38;
	[tilespmem:$0x8B80] =	vst v63  }
0x53: {  	s22 =	simm.s32 $0xFFFFFFF1;
	s23 =	smov.u32 s8;
	s21 =	simm.s32 $0x480  }
0x54: {  	[tilespmem:s16], [sflag:$0x2] =	stream.indirect.gather [hbm4b:s1+s11], $0x80, s15, s11, $0xb8;
	[tilespmem:$0x8B80] =	vst v63  }
.LBB2_5:
0x55: {  	_ =	swait.ge [sflag:s14], $0x4000  }
0x56: {  	[sflag:s14] =	ssyncset.done $0x0  }
0x57: {  	[sflag:s14] =	ssyncadd.s32 $0xFFFFC000  }
0x58: {  	[hbm4b:s23+s3] =	stream.linear.scatter [tilespmem:s13], [sflag:$0x3], $0x4000, $0x38;
	[tilespmem:$0x8B80] =	vst v63  }
0x59: {  	_ =	swait.ge [sflag:s17], $0x4000  }
0x5a: {  	[sflag:s17] =	ssyncset.done $0x0  }
0x5b: {  	[sflag:s17] =	ssyncadd.s32 $0xFFFFC000  }
0x5c: {  	[tilespmem:s16], [sflag:$0x2] =	stream.indirect.gather [hbm4b:s1+s11], $0x80, s21, s11, $0xb8;
	[tilespmem:$0x8B80] =	vst v63  }
.LBB2_8:
0x5d: {  	s22 =	sadd.s32 $0x1, s22  }
0x5e: {  	p0 =	seq.s32 s22, $0x0  }
.Ltmp4:
0x5f: {  	_ = 	snop;
	(pc) =	sbr.rel @p0 .LBB2_9-.Ltmp4, $2  }
0x60: {  	_ =	sdelay $0x2  }
0x61: {  	s21 =	sadd.s32 $0x80, s21;
	s23 =	sadd.s32 $0x800, s23  }
.LBB2_4:
0x62: {  	s24 =	sand.u32 $0x1, s22  }
0x63: {  	p0 =	seq.s32 s24, $0x1  }
.Ltmp5:
0x64: {  	_ = 	snop;
	(pc) =	sbr.rel @!p0 .LBB2_5-.Ltmp5, $1  }
0x65: {  	_ =	sdelay $0x3  }
0x66: {  	p0 =	seq.s32 s22, $0xFFFFFFFF  }
.Ltmp6:
0x67: {  	_ = 	snop;
	(pc) =	sbr.rel @p0 .LBB2_9-.Ltmp6, $4  }
0x68: {  	_ =	swait.ge [sflag:s19], $0x4000  }
0x69: {  	[sflag:s19] =	ssyncset.done $0x0  }
0x6a: {  	[sflag:s19] =	ssyncadd.s32 $0xFFFFC000  }
0x6b: {  	[hbm4b:s23+s3] =	stream.linear.scatter [tilespmem:s16], [sflag:$0x4], $0x4000, $0x38;
	[tilespmem:$0x8B80] =	vst v63  }
.Ltmp7:
0x6c: {  	(pc) =	sbr.rel .LBB2_8-.Ltmp7, $4  }
0x6d: {  	_ =	swait.ge [sflag:s18], $0x4000  }
0x6e: {  	[sflag:s18] =	ssyncset.done $0x0  }
0x6f: {  	[sflag:s18] =	ssyncadd.s32 $0xFFFFC000  }
0x70: {  	[tilespmem:s13], [sflag:$0x1] =	stream.indirect.gather [hbm4b:s1+s11], $0x80, s21, s11, $0xb8;
	[tilespmem:$0x8B80] =	vst v63  }
.LBB2_10:
0x71: {  	_ =	sfence.sel $0x180000  }
0x72: {  	[bflag:$0x0] =	sbarrier.arrive $0xFFFF  }
0x73: {  	p0 =	sne.s32 s2, $0x0;
	_ =	strace $0x90000047  }
0x74: {  	s0 =	sadd.s32 @!p0 $0x100000, s0;
	[bflag:$0x2] =	sbarrier.arrive $0xFFFF  }
0x75: {  	[sflag:s0] =	ssyncadd.tile.s32 @!p0 $0x1;
	_ =	shalt  }
.Lfunc_end2:
_tile_overlayer_lowered:
.L_overlay_start_2:
0x76: {  	(tag) =	ssettag $0x2  }
0x77: {  	s0 =	rddreg [dreg:$0x0];
	s2 =	stileid.u32  }
0x78: {  	s1 =	rddreg [dreg:$0x1];
	p0 =	sne.s32 s2, $0x0  }
0x79: {  	s3 =	rddreg [dreg:$0x2];
	[bflag:$0x3] =	sbarrier.arrive $0xFFFF;
	s2 =	simm.s32 @!p0 $0x1C05  }
0x7a: {  	[timem:s3], [sflag:s2] =	dma.local @!p0 [hbm:s0], s1  }
0x7b: {  	s0 =	simm.s32 @!p0 $0x5  }
0x7c: {  	_ =	swait.ge @!p0 [sflag:s0], s1  }
0x7d: {  	s1 =	ssub.s32 @!p0 $0x0, s1;
	[sflag:s0] =	ssyncset.done @!p0 $0x0  }
0x7e: {  	[sflag:s0] =	ssyncadd.s32 @!p0 s1  }
0x7f: {  	[bflag:$0x3] =	sbarrier.arrive $0xFFFF  }
0x80: {  	_ =	shalt  }

</sc_bundles>
